<compile_context>
chip_gen: v7x
topology: tpu7x:2x2x1
jax: 0.10.2.dev20260603
libtpu: 0.0.44.dev20260713+nightly
codegen_flags: <defaults>
</compile_context>

<pallas_src>
import jax
import jax.numpy as jnp
from jax.experimental import pallas as pl
from jax.experimental.pallas import tpu as pltpu

_K = 16


def _locse_kernel(q_ref, ct_ref, s_ref, f_ref, w_ref, b_ref, o_ref, ext_ref):
    q = q_ref[0]
    ct = ct_ref[0]
    Q = q.shape[0]
    N = ct.shape[1]

    qsq = jnp.sum(q * q, axis=1, keepdims=True)
    csq = jnp.sum(ct * ct, axis=0, keepdims=True)
    qc = jax.lax.dot_general(
        q, ct, (((1,), (0,)), ((), ())),
        preferred_element_type=jnp.float32)
    d2 = qsq - 2.0 * qc + csq

    s = s_ref[0]
    inf = jnp.float32(jnp.inf)

    def body(i, d2):
        m = jnp.min(d2, axis=1, keepdims=True)
        sel = d2 <= m
        oh = sel.astype(jnp.bfloat16)
        e = jax.lax.dot_general(
            oh, s, (((1,), (0,)), ((), ())),
            preferred_element_type=jnp.float32)
        ext_ref[i] = e
        return jnp.where(sel, inf, d2)

    jax.lax.fori_loop(0, _K, body, d2)

    nxs, nys, nzs = [], [], []
    for i in range(_K):
        e = ext_ref[i]
        nxs.append((e[:, 0:1] + e[:, 1:2]) + e[:, 2:3])
        nys.append((e[:, 3:4] + e[:, 4:5]) + e[:, 5:6])
        nzs.append((e[:, 6:7] + e[:, 7:8]) + e[:, 8:9])
    nbx = jnp.concatenate(nxs, axis=1)
    nby = jnp.concatenate(nys, axis=1)
    nbz = jnp.concatenate(nzs, axis=1)

    ex = jnp.broadcast_to(q[:, 0:1], (Q, _K))
    ey = jnp.broadcast_to(q[:, 1:2], (Q, _K))
    ez = jnp.broadcast_to(q[:, 2:3], (Q, _K))
    dx, dy, dz = ex - nbx, ey - nby, ez - nbz
    dist = jnp.sqrt(jnp.maximum(dx * dx + dy * dy + dz * dz, 1e-12))

    spatial = jnp.stack(
        [ex, ey, ez, nbx, nby, nbz, dx, dy, dz, dist],
        axis=0)
    spatial = spatial.reshape(10, Q * _K)

    w = w_ref[...]
    mlp = jax.lax.dot_general(
        w, spatial, (((1,), (0,)), ((), ())),
        preferred_element_type=jnp.float32) + b_ref[...]

    f = f_ref[0]
    featb = jnp.broadcast_to(f[:, :, None], f.shape + (_K,)).reshape(
        f.shape[0], Q * _K)

    o_ref[0] = jnp.concatenate([mlp, featb], axis=0)


def kernel(coords, features, W, bias):
    B, N, _ = coords.shape
    d = features.shape[1]
    d_out = W.shape[0]
    Q = 128
    ct = jnp.transpose(coords, (0, 2, 1))
    f2 = features[:, :, :, 0]
    b2 = bias[:, None]
    splits = []
    for a in range(3):
        c = coords[:, :, a]
        hi = c.astype(jnp.bfloat16)
        r1 = c - hi.astype(jnp.float32)
        mid = r1.astype(jnp.bfloat16)
        lo = (r1 - mid.astype(jnp.float32)).astype(jnp.bfloat16)
        splits += [hi, mid, lo]
    zero = jnp.zeros_like(splits[0])
    s_tab = jnp.stack(splits + [zero] * 7, axis=2)
    out = pl.pallas_call(
        _locse_kernel,
        grid=(B, N // Q),
        in_specs=[
            pl.BlockSpec((1, Q, 3), lambda b, i: (b, i, 0)),
            pl.BlockSpec((1, 3, N), lambda b, i: (b, 0, 0)),
            pl.BlockSpec((1, N, 16), lambda b, i: (b, 0, 0)),
            pl.BlockSpec((1, d, Q), lambda b, i: (b, 0, i)),
            pl.BlockSpec((d_out, 10), lambda b, i: (0, 0)),
            pl.BlockSpec((d_out, 1), lambda b, i: (0, 0)),
        ],
        out_specs=pl.BlockSpec((1, d_out + d, Q * _K), lambda b, i: (b, 0, i)),
        out_shape=jax.ShapeDtypeStruct((B, d_out + d, N * _K), jnp.float32),
        scratch_shapes=[pltpu.VMEM((_K, Q, 16), jnp.float32)],
    )(coords, ct, s_tab, f2, W, b2)
    return out.reshape(B, d_out + d, N, _K)

# --- scband reference (transcript-rebuilt; emitter-appended) ---
"""Pipeline reference for scband-loc-se-64965675319375 (READ-ONLY COPY).

The authoritative reference and input builder live on the scoring server;
editing this copy changes nothing except your own understanding.
"""

import jax, jax.numpy as jnp
import numpy as np

K_NEIGHBORS = 16
D_OUT = 16

def _knn_indices(coords, k, chunk=2048):
    # coords: [B, N, 3]; returns int32 indices [B, N, k] of nearest neighbors (self included)
    B, N, _ = coords.shape
    out = []
    for b in range(B):
        c = coords[b]
        sq = jnp.sum(c * c, axis=1)
        idxs = []
        for s in range(0, N, chunk):
            q = c[s:s + chunk]
            d2 = jnp.sum(q * q, axis=1)[:, None] - 2.0 * (q @ c.T) + sq[None, :]
            _, idx = jax.lax.top_k(-d2, k)
            idxs.append(idx)
        out.append(jnp.concatenate(idxs, axis=0))
    return jnp.stack(out, axis=0)


def setup_inputs(seed: int = 0) -> dict:
    key = jax.random.key(seed)
    k1, k2, k3, k4 = jax.random.split(key, 4)
    B, N, d = 2, 16384, 16
    coords = jax.random.uniform(k1, (B, N, 3), dtype=jnp.float32)
    features = jax.random.normal(k2, (B, d, N, 1), dtype=jnp.float32)
    # Shared_MLP: Conv2d(in_channels=10, out_channels=D_OUT, kernel_size=1) == pointwise linear
    W = jax.random.normal(k3, (D_OUT, 10), dtype=jnp.float32) * (1.0 / np.sqrt(10.0))
    bias = jax.random.normal(k4, (D_OUT,), dtype=jnp.float32) * 0.01
    return {"coords": coords, "features": features, "W": W, "bias": bias}


def reference(coords, features, W, bias):
    # LocSE forward (RandLA-Net local spatial encoding):
    #  1) kNN over coords  2) gather neighbor coords  3) relative spatial encoding
    #  4) shared 1x1 conv MLP  5) concat with point features broadcast over k
    B, N, _ = coords.shape
    k = K_NEIGHBORS
    idx = _knn_indices(coords, k)                               # [B, N, k]
    gathered = jax.vmap(lambda c, i: c[i])(coords, idx)         # [B, N, k, 3]
    diff = coords[:, :, None, :] - gathered                     # [B, N, k, 3]
    knn_dist = jnp.sqrt(jnp.maximum(jnp.sum(diff * diff, axis=-1), 1e-12))  # [B, N, k]
    ext = jnp.broadcast_to(jnp.transpose(coords, (0, 2, 1))[:, :, :, None], (B, 3, N, k))
    nb = jnp.transpose(gathered, (0, 3, 1, 2))                  # [B, 3, N, k]
    spatial = jnp.concatenate([ext, nb, ext - nb, knn_dist[:, None, :, :]], axis=1)  # [B, 10, N, k]
    mlp = jnp.einsum('oc,bcnk->bonk', W, spatial) + bias[None, :, None, None]        # [B, D_OUT, N, k]
    feat = jnp.broadcast_to(features, (B, features.shape[1], N, k))                  # [B, d, N, k]
    return jnp.concatenate([mlp, feat], axis=1)                 # [B, D_OUT + d, N, k]

if __name__ == "__main__":
    import jax
    _d = setup_inputs()
    print(jax.jit(kernel)(*tuple(_d.values())))

</pallas_src>

<mosaic_0001>
module attributes {stable_mosaic.version = 14 : i64} {
  func.func @_locse_kernel(%arg0: i32, %arg1: i32, %arg2: memref<1x128x3xf32, #tpu.memory_space<vmem>>, %arg3: memref<1x3x16384xf32, #tpu.memory_space<vmem>>, %arg4: memref<1x16384x16xbf16, #tpu.memory_space<vmem>>, %arg5: memref<1x16x128xf32, #tpu.memory_space<vmem>>, %arg6: memref<16x10xf32, #tpu.memory_space<vmem>>, %arg7: memref<16x1xf32, #tpu.memory_space<vmem>>, %arg8: memref<1x32x2048xf32, #tpu.memory_space<vmem>>, %arg9: memref<16x128x16xf32, #tpu.memory_space<vmem>>) attributes {dimension_semantics = [#tpu.dimension_semantics<arbitrary>, #tpu.dimension_semantics<arbitrary>], iteration_bounds = array<i64: 2, 128>, scalar_prefetch = 0 : i64, scratch_operands = 1 : i64, tpu.core_type = #tpu.core_type<tc>, window_params = [{transform_indices = @transform_0, window_bounds = array<i64: 1, 128, 3>}, {transform_indices = @transform_1, window_bounds = array<i64: 1, 3, 16384>}, {transform_indices = @transform_2, window_bounds = array<i64: 1, 16384, 16>}, {transform_indices = @transform_3, window_bounds = array<i64: 1, 16, 128>}, {pipeline_mode = #tpu.pipeline_mode<synchronous>, transform_indices = @transform_4, window_bounds = array<i64: 16, 10>}, {pipeline_mode = #tpu.pipeline_mode<synchronous>, transform_indices = @transform_5, window_bounds = array<i64: 16, 1>}, {transform_indices = @transform_6, window_bounds = array<i64: 1, 32, 2048>}]} {
    %get3A = arith.constant 0 : index
    %get3A_0 = arith.constant 0 : index
    %get3A_1 = arith.constant 0 : index
    %get3A_2 = vector.load %arg2[%get3A, %get3A_0, %get3A_1] : memref<1x128x3xf32, #tpu.memory_space<vmem>>, vector<1x128x3xf32>
    %get3A_3 = vector.shape_cast %get3A_2 : vector<1x128x3xf32> to vector<128x3xf32>
    %get3A_4 = arith.constant 0 : index
    %get3A_5 = arith.constant 0 : index
    %get3A_6 = arith.constant 0 : index
    %get3A_7 = vector.load %arg3[%get3A_4, %get3A_5, %get3A_6] : memref<1x3x16384xf32, #tpu.memory_space<vmem>>, vector<1x3x16384xf32>
    %get3A_8 = vector.shape_cast %get3A_7 : vector<1x3x16384xf32> to vector<3x16384xf32>
    %mul3A = arith.mulf %get3A_3, %get3A_3 : vector<128x3xf32>
    %reduce_sum3A = arith.constant dense<0.000000e+00> : vector<128xf32>
    %reduce_sum3A_9 = vector.multi_reduction <add>, %mul3A, %reduce_sum3A [1] : vector<128x3xf32> to vector<128xf32>
    %broadcast_in_dim3A = vector.shape_cast %reduce_sum3A_9 : vector<128xf32> to vector<128x1xf32>
    %mul3A_10 = arith.mulf %get3A_8, %get3A_8 : vector<3x16384xf32>
    %reduce_sum3A_11 = arith.constant dense<0.000000e+00> : vector<16384xf32>
    %reduce_sum3A_12 = vector.multi_reduction <add>, %mul3A_10, %reduce_sum3A_11 [0] : vector<3x16384xf32> to vector<16384xf32>
    %broadcast_in_dim3A_13 = vector.shape_cast %reduce_sum3A_12 : vector<16384xf32> to vector<1x16384xf32>
    %dot_general3A = arith.constant dense<0.000000e+00> : vector<128x16384xf32>
    %dot_general3A_14 = tpu.matmul %get3A_3, %get3A_8, %dot_general3A {dimension_numbers = #tpu.dot_dimension_numbers<[1], [0], [0], [1], [0, 0, 1, 1], [], []>, transpose_lhs_hint = false} : vector<128x3xf32>, vector<3x16384xf32>, vector<128x16384xf32> -> vector<128x16384xf32>
    %mul3A_15 = arith.constant 2.000000e+00 : f32
    %mul3A_16 = vector.broadcast %mul3A_15 : f32 to vector<128x16384xf32>
    %mul3A_17 = arith.mulf %mul3A_16, %dot_general3A_14 : vector<128x16384xf32>
    %sub3A = vector.broadcast %broadcast_in_dim3A : vector<128x1xf32> to vector<128x16384xf32>
    %sub3A_18 = arith.subf %sub3A, %mul3A_17 : vector<128x16384xf32>
    %add3A = vector.broadcast %broadcast_in_dim3A_13 : vector<1x16384xf32> to vector<128x16384xf32>
    %add3A_19 = arith.addf %sub3A_18, %add3A : vector<128x16384xf32>
    %get3A_20 = arith.constant 0 : index
    %get3A_21 = arith.constant 0 : index
    %get3A_22 = arith.constant 0 : index
    %get3A_23 = vector.load %arg4[%get3A_20, %get3A_21, %get3A_22] : memref<1x16384x16xbf16, #tpu.memory_space<vmem>>, vector<1x16384x16xbf16>
    %get3A_24 = vector.shape_cast %get3A_23 : vector<1x16384x16xbf16> to vector<16384x16xbf16>
    %scan3A = arith.constant 0x7F800000 : f32
    %scan3A_25 = arith.constant 0 : i32
    %scan3A_26 = arith.constant 16 : i32
    %scan3A_27 = arith.addi %scan3A_25, %scan3A_26 : i32
    %scan3A_28 = arith.constant 1 : i32
    %scan3A_29 = scf.for %scan3A_406 = %scan3A_25 to %scan3A_27 step %scan3A_28 iter_args(%scan3A_407 = %add3A_19) -> (vector<128x16384xf32>)  : i32 {
      %reduce_min3A = arith.constant dense<0x7F800000> : vector<128xf32>
      %reduce_min3A_408 = vector.multi_reduction <minimumf>, %scan3A_407, %reduce_min3A [1] : vector<128x16384xf32> to vector<128xf32>
      %broadcast_in_dim3A_409 = vector.shape_cast %reduce_min3A_408 : vector<128xf32> to vector<128x1xf32>
      %le3A = vector.broadcast %broadcast_in_dim3A_409 : vector<128x1xf32> to vector<128x16384xf32>
      %le3A_410 = arith.cmpf ole, %scan3A_407, %le3A : vector<128x16384xf32>
      %convert_element_type3A = arith.extui %le3A_410 : vector<128x16384xi1> to vector<128x16384xi32>
      %convert_element_type3A_411 = arith.sitofp %convert_element_type3A : vector<128x16384xi32> to vector<128x16384xf32>
      %convert_element_type3A_412 = arith.truncf %convert_element_type3A_411 : vector<128x16384xf32> to vector<128x16384xbf16>
      %dot_general3A_413 = arith.constant dense<0.000000e+00> : vector<128x16xf32>
      %dot_general3A_414 = tpu.matmul %convert_element_type3A_412, %get3A_24, %dot_general3A_413 {dimension_numbers = #tpu.dot_dimension_numbers<[1], [0], [0], [1], [0, 0, 1, 1], [], []>, transpose_lhs_hint = false} : vector<128x16384xbf16>, vector<16384x16xbf16>, vector<128x16xf32> -> vector<128x16xf32>
      %swap3A_415 = arith.index_cast %scan3A_406 : i32 to index
      %swap3A_416 = arith.constant 0 : index
      %swap3A_417 = arith.constant 0 : index
      %swap3A_418 = vector.load %arg9[%swap3A_415, %swap3A_416, %swap3A_417] : memref<16x128x16xf32, #tpu.memory_space<vmem>>, vector<1x128x16xf32>
      %swap3A_419 = vector.shape_cast %swap3A_418 : vector<1x128x16xf32> to vector<128x16xf32>
      %swap3A_420 = vector.shape_cast %dot_general3A_414 : vector<128x16xf32> to vector<1x128x16xf32>
      tpu.vector_store %arg9[%swap3A_415, %swap3A_416, %swap3A_417], %swap3A_420 {strides = array<i32>} : memref<16x128x16xf32, #tpu.memory_space<vmem>>, vector<1x128x16xf32>,
      %broadcast_in_dim3A_421 = vector.broadcast %scan3A : f32 to vector<128x16384xf32>
      %select_n3A = arith.select %le3A_410, %broadcast_in_dim3A_421, %scan3A_407 : vector<128x16384xi1>, vector<128x16384xf32>
      scf.yield %select_n3A : vector<128x16384xf32>
    }
    %scan3A_30 = arith.constant 16 : i32
    %get3A_31 = arith.constant 0 : index
    %get3A_32 = arith.constant 0 : index
    %get3A_33 = arith.constant 0 : index
    %get3A_34 = vector.load %arg9[%get3A_31, %get3A_32, %get3A_33] : memref<16x128x16xf32, #tpu.memory_space<vmem>>, vector<1x128x16xf32>
    %get3A_35 = vector.shape_cast %get3A_34 : vector<1x128x16xf32> to vector<128x16xf32>
    %slice3A = vector.extract_strided_slice %get3A_35 {offsets = [0, 0], sizes = [128, 1], strides = [1, 1]} : vector<128x16xf32> to vector<128x1xf32>
    %slice3A_36 = vector.extract_strided_slice %get3A_35 {offsets = [0, 1], sizes = [128, 1], strides = [1, 1]} : vector<128x16xf32> to vector<128x1xf32>
    %add3A_37 = arith.addf %slice3A, %slice3A_36 : vector<128x1xf32>
    %slice3A_38 = vector.extract_strided_slice %get3A_35 {offsets = [0, 2], sizes = [128, 1], strides = [1, 1]} : vector<128x16xf32> to vector<128x1xf32>
    %add3A_39 = arith.addf %add3A_37, %slice3A_38 : vector<128x1xf32>
    %slice3A_40 = vector.extract_strided_slice %get3A_35 {offsets = [0, 3], sizes = [128, 1], strides = [1, 1]} : vector<128x16xf32> to vector<128x1xf32>
    %slice3A_41 = vector.extract_strided_slice %get3A_35 {offsets = [0, 4], sizes = [128, 1], strides = [1, 1]} : vector<128x16xf32> to vector<128x1xf32>
    %add3A_42 = arith.addf %slice3A_40, %slice3A_41 : vector<128x1xf32>
    %slice3A_43 = vector.extract_strided_slice %get3A_35 {offsets = [0, 5], sizes = [128, 1], strides = [1, 1]} : vector<128x16xf32> to vector<128x1xf32>
    %add3A_44 = arith.addf %add3A_42, %slice3A_43 : vector<128x1xf32>
    %slice3A_45 = vector.extract_strided_slice %get3A_35 {offsets = [0, 6], sizes = [128, 1], strides = [1, 1]} : vector<128x16xf32> to vector<128x1xf32>
    %slice3A_46 = vector.extract_strided_slice %get3A_35 {offsets = [0, 7], sizes = [128, 1], strides = [1, 1]} : vector<128x16xf32> to vector<128x1xf32>
    %add3A_47 = arith.addf %slice3A_45, %slice3A_46 : vector<128x1xf32>
    %slice3A_48 = vector.extract_strided_slice %get3A_35 {offsets = [0, 8], sizes = [128, 1], strides = [1, 1]} : vector<128x16xf32> to vector<128x1xf32>
    %add3A_49 = arith.addf %add3A_47, %slice3A_48 : vector<128x1xf32>
    %get3A_50 = arith.constant 1 : index
    %get3A_51 = arith.constant 0 : index
    %get3A_52 = arith.constant 0 : index
    %get3A_53 = vector.load %arg9[%get3A_50, %get3A_51, %get3A_52] : memref<16x128x16xf32, #tpu.memory_space<vmem>>, vector<1x128x16xf32>
    %get3A_54 = vector.shape_cast %get3A_53 : vector<1x128x16xf32> to vector<128x16xf32>
    %slice3A_55 = vector.extract_strided_slice %get3A_54 {offsets = [0, 0], sizes = [128, 1], strides = [1, 1]} : vector<128x16xf32> to vector<128x1xf32>
    %slice3A_56 = vector.extract_strided_slice %get3A_54 {offsets = [0, 1], sizes = [128, 1], strides = [1, 1]} : vector<128x16xf32> to vector<128x1xf32>
    %add3A_57 = arith.addf %slice3A_55, %slice3A_56 : vector<128x1xf32>
    %slice3A_58 = vector.extract_strided_slice %get3A_54 {offsets = [0, 2], sizes = [128, 1], strides = [1, 1]} : vector<128x16xf32> to vector<128x1xf32>
    %add3A_59 = arith.addf %add3A_57, %slice3A_58 : vector<128x1xf32>
    %slice3A_60 = vector.extract_strided_slice %get3A_54 {offsets = [0, 3], sizes = [128, 1], strides = [1, 1]} : vector<128x16xf32> to vector<128x1xf32>
    %slice3A_61 = vector.extract_strided_slice %get3A_54 {offsets = [0, 4], sizes = [128, 1], strides = [1, 1]} : vector<128x16xf32> to vector<128x1xf32>
    %add3A_62 = arith.addf %slice3A_60, %slice3A_61 : vector<128x1xf32>
    %slice3A_63 = vector.extract_strided_slice %get3A_54 {offsets = [0, 5], sizes = [128, 1], strides = [1, 1]} : vector<128x16xf32> to vector<128x1xf32>
    %add3A_64 = arith.addf %add3A_62, %slice3A_63 : vector<128x1xf32>
    %slice3A_65 = vector.extract_strided_slice %get3A_54 {offsets = [0, 6], sizes = [128, 1], strides = [1, 1]} : vector<128x16xf32> to vector<128x1xf32>
    %slice3A_66 = vector.extract_strided_slice %get3A_54 {offsets = [0, 7], sizes = [128, 1], strides = [1, 1]} : vector<128x16xf32> to vector<128x1xf32>
    %add3A_67 = arith.addf %slice3A_65, %slice3A_66 : vector<128x1xf32>
    %slice3A_68 = vector.extract_strided_slice %get3A_54 {offsets = [0, 8], sizes = [128, 1], strides = [1, 1]} : vector<128x16xf32> to vector<128x1xf32>
    %add3A_69 = arith.addf %add3A_67, %slice3A_68 : vector<128x1xf32>
    %get3A_70 = arith.constant 2 : index
    %get3A_71 = arith.constant 0 : index
    %get3A_72 = arith.constant 0 : index
    %get3A_73 = vector.load %arg9[%get3A_70, %get3A_71, %get3A_72] : memref<16x128x16xf32, #tpu.memory_space<vmem>>, vector<1x128x16xf32>
    %get3A_74 = vector.shape_cast %get3A_73 : vector<1x128x16xf32> to vector<128x16xf32>
    %slice3A_75 = vector.extract_strided_slice %get3A_74 {offsets = [0, 0], sizes = [128, 1], strides = [1, 1]} : vector<128x16xf32> to vector<128x1xf32>
    %slice3A_76 = vector.extract_strided_slice %get3A_74 {offsets = [0, 1], sizes = [128, 1], strides = [1, 1]} : vector<128x16xf32> to vector<128x1xf32>
    %add3A_77 = arith.addf %slice3A_75, %slice3A_76 : vector<128x1xf32>
    %slice3A_78 = vector.extract_strided_slice %get3A_74 {offsets = [0, 2], sizes = [128, 1], strides = [1, 1]} : vector<128x16xf32> to vector<128x1xf32>
    %add3A_79 = arith.addf %add3A_77, %slice3A_78 : vector<128x1xf32>
    %slice3A_80 = vector.extract_strided_slice %get3A_74 {offsets = [0, 3], sizes = [128, 1], strides = [1, 1]} : vector<128x16xf32> to vector<128x1xf32>
    %slice3A_81 = vector.extract_strided_slice %get3A_74 {offsets = [0, 4], sizes = [128, 1], strides = [1, 1]} : vector<128x16xf32> to vector<128x1xf32>
    %add3A_82 = arith.addf %slice3A_80, %slice3A_81 : vector<128x1xf32>
    %slice3A_83 = vector.extract_strided_slice %get3A_74 {offsets = [0, 5], sizes = [128, 1], strides = [1, 1]} : vector<128x16xf32> to vector<128x1xf32>
    %add3A_84 = arith.addf %add3A_82, %slice3A_83 : vector<128x1xf32>
    %slice3A_85 = vector.extract_strided_slice %get3A_74 {offsets = [0, 6], sizes = [128, 1], strides = [1, 1]} : vector<128x16xf32> to vector<128x1xf32>
    %slice3A_86 = vector.extract_strided_slice %get3A_74 {offsets = [0, 7], sizes = [128, 1], strides = [1, 1]} : vector<128x16xf32> to vector<128x1xf32>
    %add3A_87 = arith.addf %slice3A_85, %slice3A_86 : vector<128x1xf32>
    %slice3A_88 = vector.extract_strided_slice %get3A_74 {offsets = [0, 8], sizes = [128, 1], strides = [1, 1]} : vector<128x16xf32> to vector<128x1xf32>
    %add3A_89 = arith.addf %add3A_87, %slice3A_88 : vector<128x1xf32>
    %get3A_90 = arith.constant 3 : index
    %get3A_91 = arith.constant 0 : index
    %get3A_92 = arith.constant 0 : index
    %get3A_93 = vector.load %arg9[%get3A_90, %get3A_91, %get3A_92] : memref<16x128x16xf32, #tpu.memory_space<vmem>>, vector<1x128x16xf32>
    %get3A_94 = vector.shape_cast %get3A_93 : vector<1x128x16xf32> to vector<128x16xf32>
    %slice3A_95 = vector.extract_strided_slice %get3A_94 {offsets = [0, 0], sizes = [128, 1], strides = [1, 1]} : vector<128x16xf32> to vector<128x1xf32>
    %slice3A_96 = vector.extract_strided_slice %get3A_94 {offsets = [0, 1], sizes = [128, 1], strides = [1, 1]} : vector<128x16xf32> to vector<128x1xf32>
    %add3A_97 = arith.addf %slice3A_95, %slice3A_96 : vector<128x1xf32>
    %slice3A_98 = vector.extract_strided_slice %get3A_94 {offsets = [0, 2], sizes = [128, 1], strides = [1, 1]} : vector<128x16xf32> to vector<128x1xf32>
    %add3A_99 = arith.addf %add3A_97, %slice3A_98 : vector<128x1xf32>
    %slice3A_100 = vector.extract_strided_slice %get3A_94 {offsets = [0, 3], sizes = [128, 1], strides = [1, 1]} : vector<128x16xf32> to vector<128x1xf32>
    %slice3A_101 = vector.extract_strided_slice %get3A_94 {offsets = [0, 4], sizes = [128, 1], strides = [1, 1]} : vector<128x16xf32> to vector<128x1xf32>
    %add3A_102 = arith.addf %slice3A_100, %slice3A_101 : vector<128x1xf32>
    %slice3A_103 = vector.extract_strided_slice %get3A_94 {offsets = [0, 5], sizes = [128, 1], strides = [1, 1]} : vector<128x16xf32> to vector<128x1xf32>
    %add3A_104 = arith.addf %add3A_102, %slice3A_103 : vector<128x1xf32>
    %slice3A_105 = vector.extract_strided_slice %get3A_94 {offsets = [0, 6], sizes = [128, 1], strides = [1, 1]} : vector<128x16xf32> to vector<128x1xf32>
    %slice3A_106 = vector.extract_strided_slice %get3A_94 {offsets = [0, 7], sizes = [128, 1], strides = [1, 1]} : vector<128x16xf32> to vector<128x1xf32>
    %add3A_107 = arith.addf %slice3A_105, %slice3A_106 : vector<128x1xf32>
    %slice3A_108 = vector.extract_strided_slice %get3A_94 {offsets = [0, 8], sizes = [128, 1], strides = [1, 1]} : vector<128x16xf32> to vector<128x1xf32>
    %add3A_109 = arith.addf %add3A_107, %slice3A_108 : vector<128x1xf32>
    %get3A_110 = arith.constant 4 : index
    %get3A_111 = arith.constant 0 : index
    %get3A_112 = arith.constant 0 : index
    %get3A_113 = vector.load %arg9[%get3A_110, %get3A_111, %get3A_112] : memref<16x128x16xf32, #tpu.memory_space<vmem>>, vector<1x128x16xf32>
    %get3A_114 = vector.shape_cast %get3A_113 : vector<1x128x16xf32> to vector<128x16xf32>
    %slice3A_115 = vector.extract_strided_slice %get3A_114 {offsets = [0, 0], sizes = [128, 1], strides = [1, 1]} : vector<128x16xf32> to vector<128x1xf32>
    %slice3A_116 = vector.extract_strided_slice %get3A_114 {offsets = [0, 1], sizes = [128, 1], strides = [1, 1]} : vector<128x16xf32> to vector<128x1xf32>
    %add3A_117 = arith.addf %slice3A_115, %slice3A_116 : vector<128x1xf32>
    %slice3A_118 = vector.extract_strided_slice %get3A_114 {offsets = [0, 2], sizes = [128, 1], strides = [1, 1]} : vector<128x16xf32> to vector<128x1xf32>
    %add3A_119 = arith.addf %add3A_117, %slice3A_118 : vector<128x1xf32>
    %slice3A_120 = vector.extract_strided_slice %get3A_114 {offsets = [0, 3], sizes = [128, 1], strides = [1, 1]} : vector<128x16xf32> to vector<128x1xf32>
    %slice3A_121 = vector.extract_strided_slice %get3A_114 {offsets = [0, 4], sizes = [128, 1], strides = [1, 1]} : vector<128x16xf32> to vector<128x1xf32>
    %add3A_122 = arith.addf %slice3A_120, %slice3A_121 : vector<128x1xf32>
    %slice3A_123 = vector.extract_strided_slice %get3A_114 {offsets = [0, 5], sizes = [128, 1], strides = [1, 1]} : vector<128x16xf32> to vector<128x1xf32>
    %add3A_124 = arith.addf %add3A_122, %slice3A_123 : vector<128x1xf32>
    %slice3A_125 = vector.extract_strided_slice %get3A_114 {offsets = [0, 6], sizes = [128, 1], strides = [1, 1]} : vector<128x16xf32> to vector<128x1xf32>
    %slice3A_126 = vector.extract_strided_slice %get3A_114 {offsets = [0, 7], sizes = [128, 1], strides = [1, 1]} : vector<128x16xf32> to vector<128x1xf32>
    %add3A_127 = arith.addf %slice3A_125, %slice3A_126 : vector<128x1xf32>
    %slice3A_128 = vector.extract_strided_slice %get3A_114 {offsets = [0, 8], sizes = [128, 1], strides = [1, 1]} : vector<128x16xf32> to vector<128x1xf32>
    %add3A_129 = arith.addf %add3A_127, %slice3A_128 : vector<128x1xf32>
    %get3A_130 = arith.constant 5 : index
    %get3A_131 = arith.constant 0 : index
    %get3A_132 = arith.constant 0 : index
    %get3A_133 = vector.load %arg9[%get3A_130, %get3A_131, %get3A_132] : memref<16x128x16xf32, #tpu.memory_space<vmem>>, vector<1x128x16xf32>
    %get3A_134 = vector.shape_cast %get3A_133 : vector<1x128x16xf32> to vector<128x16xf32>
    %slice3A_135 = vector.extract_strided_slice %get3A_134 {offsets = [0, 0], sizes = [128, 1], strides = [1, 1]} : vector<128x16xf32> to vector<128x1xf32>
    %slice3A_136 = vector.extract_strided_slice %get3A_134 {offsets = [0, 1], sizes = [128, 1], strides = [1, 1]} : vector<128x16xf32> to vector<128x1xf32>
    %add3A_137 = arith.addf %slice3A_135, %slice3A_136 : vector<128x1xf32>
    %slice3A_138 = vector.extract_strided_slice %get3A_134 {offsets = [0, 2], sizes = [128, 1], strides = [1, 1]} : vector<128x16xf32> to vector<128x1xf32>
    %add3A_139 = arith.addf %add3A_137, %slice3A_138 : vector<128x1xf32>
    %slice3A_140 = vector.extract_strided_slice %get3A_134 {offsets = [0, 3], sizes = [128, 1], strides = [1, 1]} : vector<128x16xf32> to vector<128x1xf32>
    %slice3A_141 = vector.extract_strided_slice %get3A_134 {offsets = [0, 4], sizes = [128, 1], strides = [1, 1]} : vector<128x16xf32> to vector<128x1xf32>
    %add3A_142 = arith.addf %slice3A_140, %slice3A_141 : vector<128x1xf32>
    %slice3A_143 = vector.extract_strided_slice %get3A_134 {offsets = [0, 5], sizes = [128, 1], strides = [1, 1]} : vector<128x16xf32> to vector<128x1xf32>
    %add3A_144 = arith.addf %add3A_142, %slice3A_143 : vector<128x1xf32>
    %slice3A_145 = vector.extract_strided_slice %get3A_134 {offsets = [0, 6], sizes = [128, 1], strides = [1, 1]} : vector<128x16xf32> to vector<128x1xf32>
    %slice3A_146 = vector.extract_strided_slice %get3A_134 {offsets = [0, 7], sizes = [128, 1], strides = [1, 1]} : vector<128x16xf32> to vector<128x1xf32>
    %add3A_147 = arith.addf %slice3A_145, %slice3A_146 : vector<128x1xf32>
    %slice3A_148 = vector.extract_strided_slice %get3A_134 {offsets = [0, 8], sizes = [128, 1], strides = [1, 1]} : vector<128x16xf32> to vector<128x1xf32>
    %add3A_149 = arith.addf %add3A_147, %slice3A_148 : vector<128x1xf32>
    %get3A_150 = arith.constant 6 : index
    %get3A_151 = arith.constant 0 : index
    %get3A_152 = arith.constant 0 : index
    %get3A_153 = vector.load %arg9[%get3A_150, %get3A_151, %get3A_152] : memref<16x128x16xf32, #tpu.memory_space<vmem>>, vector<1x128x16xf32>
    %get3A_154 = vector.shape_cast %get3A_153 : vector<1x128x16xf32> to vector<128x16xf32>
    %slice3A_155 = vector.extract_strided_slice %get3A_154 {offsets = [0, 0], sizes = [128, 1], strides = [1, 1]} : vector<128x16xf32> to vector<128x1xf32>
    %slice3A_156 = vector.extract_strided_slice %get3A_154 {offsets = [0, 1], sizes = [128, 1], strides = [1, 1]} : vector<128x16xf32> to vector<128x1xf32>
    %add3A_157 = arith.addf %slice3A_155, %slice3A_156 : vector<128x1xf32>
    %slice3A_158 = vector.extract_strided_slice %get3A_154 {offsets = [0, 2], sizes = [128, 1], strides = [1, 1]} : vector<128x16xf32> to vector<128x1xf32>
    %add3A_159 = arith.addf %add3A_157, %slice3A_158 : vector<128x1xf32>
    %slice3A_160 = vector.extract_strided_slice %get3A_154 {offsets = [0, 3], sizes = [128, 1], strides = [1, 1]} : vector<128x16xf32> to vector<128x1xf32>
    %slice3A_161 = vector.extract_strided_slice %get3A_154 {offsets = [0, 4], sizes = [128, 1], strides = [1, 1]} : vector<128x16xf32> to vector<128x1xf32>
    %add3A_162 = arith.addf %slice3A_160, %slice3A_161 : vector<128x1xf32>
    %slice3A_163 = vector.extract_strided_slice %get3A_154 {offsets = [0, 5], sizes = [128, 1], strides = [1, 1]} : vector<128x16xf32> to vector<128x1xf32>
    %add3A_164 = arith.addf %add3A_162, %slice3A_163 : vector<128x1xf32>
    %slice3A_165 = vector.extract_strided_slice %get3A_154 {offsets = [0, 6], sizes = [128, 1], strides = [1, 1]} : vector<128x16xf32> to vector<128x1xf32>
    %slice3A_166 = vector.extract_strided_slice %get3A_154 {offsets = [0, 7], sizes = [128, 1], strides = [1, 1]} : vector<128x16xf32> to vector<128x1xf32>
    %add3A_167 = arith.addf %slice3A_165, %slice3A_166 : vector<128x1xf32>
    %slice3A_168 = vector.extract_strided_slice %get3A_154 {offsets = [0, 8], sizes = [128, 1], strides = [1, 1]} : vector<128x16xf32> to vector<128x1xf32>
    %add3A_169 = arith.addf %add3A_167, %slice3A_168 : vector<128x1xf32>
    %get3A_170 = arith.constant 7 : index
    %get3A_171 = arith.constant 0 : index
    %get3A_172 = arith.constant 0 : index
    %get3A_173 = vector.load %arg9[%get3A_170, %get3A_171, %get3A_172] : memref<16x128x16xf32, #tpu.memory_space<vmem>>, vector<1x128x16xf32>
    %get3A_174 = vector.shape_cast %get3A_173 : vector<1x128x16xf32> to vector<128x16xf32>
    %slice3A_175 = vector.extract_strided_slice %get3A_174 {offsets = [0, 0], sizes = [128, 1], strides = [1, 1]} : vector<128x16xf32> to vector<128x1xf32>
    %slice3A_176 = vector.extract_strided_slice %get3A_174 {offsets = [0, 1], sizes = [128, 1], strides = [1, 1]} : vector<128x16xf32> to vector<128x1xf32>
    %add3A_177 = arith.addf %slice3A_175, %slice3A_176 : vector<128x1xf32>
    %slice3A_178 = vector.extract_strided_slice %get3A_174 {offsets = [0, 2], sizes = [128, 1], strides = [1, 1]} : vector<128x16xf32> to vector<128x1xf32>
    %add3A_179 = arith.addf %add3A_177, %slice3A_178 : vector<128x1xf32>
    %slice3A_180 = vector.extract_strided_slice %get3A_174 {offsets = [0, 3], sizes = [128, 1], strides = [1, 1]} : vector<128x16xf32> to vector<128x1xf32>
    %slice3A_181 = vector.extract_strided_slice %get3A_174 {offsets = [0, 4], sizes = [128, 1], strides = [1, 1]} : vector<128x16xf32> to vector<128x1xf32>
    %add3A_182 = arith.addf %slice3A_180, %slice3A_181 : vector<128x1xf32>
    %slice3A_183 = vector.extract_strided_slice %get3A_174 {offsets = [0, 5], sizes = [128, 1], strides = [1, 1]} : vector<128x16xf32> to vector<128x1xf32>
    %add3A_184 = arith.addf %add3A_182, %slice3A_183 : vector<128x1xf32>
    %slice3A_185 = vector.extract_strided_slice %get3A_174 {offsets = [0, 6], sizes = [128, 1], strides = [1, 1]} : vector<128x16xf32> to vector<128x1xf32>
    %slice3A_186 = vector.extract_strided_slice %get3A_174 {offsets = [0, 7], sizes = [128, 1], strides = [1, 1]} : vector<128x16xf32> to vector<128x1xf32>
    %add3A_187 = arith.addf %slice3A_185, %slice3A_186 : vector<128x1xf32>
    %slice3A_188 = vector.extract_strided_slice %get3A_174 {offsets = [0, 8], sizes = [128, 1], strides = [1, 1]} : vector<128x16xf32> to vector<128x1xf32>
    %add3A_189 = arith.addf %add3A_187, %slice3A_188 : vector<128x1xf32>
    %get3A_190 = arith.constant 8 : index
    %get3A_191 = arith.constant 0 : index
    %get3A_192 = arith.constant 0 : index
    %get3A_193 = vector.load %arg9[%get3A_190, %get3A_191, %get3A_192] : memref<16x128x16xf32, #tpu.memory_space<vmem>>, vector<1x128x16xf32>
    %get3A_194 = vector.shape_cast %get3A_193 : vector<1x128x16xf32> to vector<128x16xf32>
    %slice3A_195 = vector.extract_strided_slice %get3A_194 {offsets = [0, 0], sizes = [128, 1], strides = [1, 1]} : vector<128x16xf32> to vector<128x1xf32>
    %slice3A_196 = vector.extract_strided_slice %get3A_194 {offsets = [0, 1], sizes = [128, 1], strides = [1, 1]} : vector<128x16xf32> to vector<128x1xf32>
    %add3A_197 = arith.addf %slice3A_195, %slice3A_196 : vector<128x1xf32>
    %slice3A_198 = vector.extract_strided_slice %get3A_194 {offsets = [0, 2], sizes = [128, 1], strides = [1, 1]} : vector<128x16xf32> to vector<128x1xf32>
    %add3A_199 = arith.addf %add3A_197, %slice3A_198 : vector<128x1xf32>
    %slice3A_200 = vector.extract_strided_slice %get3A_194 {offsets = [0, 3], sizes = [128, 1], strides = [1, 1]} : vector<128x16xf32> to vector<128x1xf32>
    %slice3A_201 = vector.extract_strided_slice %get3A_194 {offsets = [0, 4], sizes = [128, 1], strides = [1, 1]} : vector<128x16xf32> to vector<128x1xf32>
    %add3A_202 = arith.addf %slice3A_200, %slice3A_201 : vector<128x1xf32>
    %slice3A_203 = vector.extract_strided_slice %get3A_194 {offsets = [0, 5], sizes = [128, 1], strides = [1, 1]} : vector<128x16xf32> to vector<128x1xf32>
    %add3A_204 = arith.addf %add3A_202, %slice3A_203 : vector<128x1xf32>
    %slice3A_205 = vector.extract_strided_slice %get3A_194 {offsets = [0, 6], sizes = [128, 1], strides = [1, 1]} : vector<128x16xf32> to vector<128x1xf32>
    %slice3A_206 = vector.extract_strided_slice %get3A_194 {offsets = [0, 7], sizes = [128, 1], strides = [1, 1]} : vector<128x16xf32> to vector<128x1xf32>
    %add3A_207 = arith.addf %slice3A_205, %slice3A_206 : vector<128x1xf32>
    %slice3A_208 = vector.extract_strided_slice %get3A_194 {offsets = [0, 8], sizes = [128, 1], strides = [1, 1]} : vector<128x16xf32> to vector<128x1xf32>
    %add3A_209 = arith.addf %add3A_207, %slice3A_208 : vector<128x1xf32>
    %get3A_210 = arith.constant 9 : index
    %get3A_211 = arith.constant 0 : index
    %get3A_212 = arith.constant 0 : index
    %get3A_213 = vector.load %arg9[%get3A_210, %get3A_211, %get3A_212] : memref<16x128x16xf32, #tpu.memory_space<vmem>>, vector<1x128x16xf32>
    %get3A_214 = vector.shape_cast %get3A_213 : vector<1x128x16xf32> to vector<128x16xf32>
    %slice3A_215 = vector.extract_strided_slice %get3A_214 {offsets = [0, 0], sizes = [128, 1], strides = [1, 1]} : vector<128x16xf32> to vector<128x1xf32>
    %slice3A_216 = vector.extract_strided_slice %get3A_214 {offsets = [0, 1], sizes = [128, 1], strides = [1, 1]} : vector<128x16xf32> to vector<128x1xf32>
    %add3A_217 = arith.addf %slice3A_215, %slice3A_216 : vector<128x1xf32>
    %slice3A_218 = vector.extract_strided_slice %get3A_214 {offsets = [0, 2], sizes = [128, 1], strides = [1, 1]} : vector<128x16xf32> to vector<128x1xf32>
    %add3A_219 = arith.addf %add3A_217, %slice3A_218 : vector<128x1xf32>
    %slice3A_220 = vector.extract_strided_slice %get3A_214 {offsets = [0, 3], sizes = [128, 1], strides = [1, 1]} : vector<128x16xf32> to vector<128x1xf32>
    %slice3A_221 = vector.extract_strided_slice %get3A_214 {offsets = [0, 4], sizes = [128, 1], strides = [1, 1]} : vector<128x16xf32> to vector<128x1xf32>
    %add3A_222 = arith.addf %slice3A_220, %slice3A_221 : vector<128x1xf32>
    %slice3A_223 = vector.extract_strided_slice %get3A_214 {offsets = [0, 5], sizes = [128, 1], strides = [1, 1]} : vector<128x16xf32> to vector<128x1xf32>
    %add3A_224 = arith.addf %add3A_222, %slice3A_223 : vector<128x1xf32>
    %slice3A_225 = vector.extract_strided_slice %get3A_214 {offsets = [0, 6], sizes = [128, 1], strides = [1, 1]} : vector<128x16xf32> to vector<128x1xf32>
    %slice3A_226 = vector.extract_strided_slice %get3A_214 {offsets = [0, 7], sizes = [128, 1], strides = [1, 1]} : vector<128x16xf32> to vector<128x1xf32>
    %add3A_227 = arith.addf %slice3A_225, %slice3A_226 : vector<128x1xf32>
    %slice3A_228 = vector.extract_strided_slice %get3A_214 {offsets = [0, 8], sizes = [128, 1], strides = [1, 1]} : vector<128x16xf32> to vector<128x1xf32>
    %add3A_229 = arith.addf %add3A_227, %slice3A_228 : vector<128x1xf32>
    %get3A_230 = arith.constant 10 : index
    %get3A_231 = arith.constant 0 : index
    %get3A_232 = arith.constant 0 : index
    %get3A_233 = vector.load %arg9[%get3A_230, %get3A_231, %get3A_232] : memref<16x128x16xf32, #tpu.memory_space<vmem>>, vector<1x128x16xf32>
    %get3A_234 = vector.shape_cast %get3A_233 : vector<1x128x16xf32> to vector<128x16xf32>
    %slice3A_235 = vector.extract_strided_slice %get3A_234 {offsets = [0, 0], sizes = [128, 1], strides = [1, 1]} : vector<128x16xf32> to vector<128x1xf32>
    %slice3A_236 = vector.extract_strided_slice %get3A_234 {offsets = [0, 1], sizes = [128, 1], strides = [1, 1]} : vector<128x16xf32> to vector<128x1xf32>
    %add3A_237 = arith.addf %slice3A_235, %slice3A_236 : vector<128x1xf32>
    %slice3A_238 = vector.extract_strided_slice %get3A_234 {offsets = [0, 2], sizes = [128, 1], strides = [1, 1]} : vector<128x16xf32> to vector<128x1xf32>
    %add3A_239 = arith.addf %add3A_237, %slice3A_238 : vector<128x1xf32>
    %slice3A_240 = vector.extract_strided_slice %get3A_234 {offsets = [0, 3], sizes = [128, 1], strides = [1, 1]} : vector<128x16xf32> to vector<128x1xf32>
    %slice3A_241 = vector.extract_strided_slice %get3A_234 {offsets = [0, 4], sizes = [128, 1], strides = [1, 1]} : vector<128x16xf32> to vector<128x1xf32>
    %add3A_242 = arith.addf %slice3A_240, %slice3A_241 : vector<128x1xf32>
    %slice3A_243 = vector.extract_strided_slice %get3A_234 {offsets = [0, 5], sizes = [128, 1], strides = [1, 1]} : vector<128x16xf32> to vector<128x1xf32>
    %add3A_244 = arith.addf %add3A_242, %slice3A_243 : vector<128x1xf32>
    %slice3A_245 = vector.extract_strided_slice %get3A_234 {offsets = [0, 6], sizes = [128, 1], strides = [1, 1]} : vector<128x16xf32> to vector<128x1xf32>
    %slice3A_246 = vector.extract_strided_slice %get3A_234 {offsets = [0, 7], sizes = [128, 1], strides = [1, 1]} : vector<128x16xf32> to vector<128x1xf32>
    %add3A_247 = arith.addf %slice3A_245, %slice3A_246 : vector<128x1xf32>
    %slice3A_248 = vector.extract_strided_slice %get3A_234 {offsets = [0, 8], sizes = [128, 1], strides = [1, 1]} : vector<128x16xf32> to vector<128x1xf32>
    %add3A_249 = arith.addf %add3A_247, %slice3A_248 : vector<128x1xf32>
    %get3A_250 = arith.constant 11 : index
    %get3A_251 = arith.constant 0 : index
    %get3A_252 = arith.constant 0 : index
    %get3A_253 = vector.load %arg9[%get3A_250, %get3A_251, %get3A_252] : memref<16x128x16xf32, #tpu.memory_space<vmem>>, vector<1x128x16xf32>
    %get3A_254 = vector.shape_cast %get3A_253 : vector<1x128x16xf32> to vector<128x16xf32>
    %slice3A_255 = vector.extract_strided_slice %get3A_254 {offsets = [0, 0], sizes = [128, 1], strides = [1, 1]} : vector<128x16xf32> to vector<128x1xf32>
    %slice3A_256 = vector.extract_strided_slice %get3A_254 {offsets = [0, 1], sizes = [128, 1], strides = [1, 1]} : vector<128x16xf32> to vector<128x1xf32>
    %add3A_257 = arith.addf %slice3A_255, %slice3A_256 : vector<128x1xf32>
    %slice3A_258 = vector.extract_strided_slice %get3A_254 {offsets = [0, 2], sizes = [128, 1], strides = [1, 1]} : vector<128x16xf32> to vector<128x1xf32>
    %add3A_259 = arith.addf %add3A_257, %slice3A_258 : vector<128x1xf32>
    %slice3A_260 = vector.extract_strided_slice %get3A_254 {offsets = [0, 3], sizes = [128, 1], strides = [1, 1]} : vector<128x16xf32> to vector<128x1xf32>
    %slice3A_261 = vector.extract_strided_slice %get3A_254 {offsets = [0, 4], sizes = [128, 1], strides = [1, 1]} : vector<128x16xf32> to vector<128x1xf32>
    %add3A_262 = arith.addf %slice3A_260, %slice3A_261 : vector<128x1xf32>
    %slice3A_263 = vector.extract_strided_slice %get3A_254 {offsets = [0, 5], sizes = [128, 1], strides = [1, 1]} : vector<128x16xf32> to vector<128x1xf32>
    %add3A_264 = arith.addf %add3A_262, %slice3A_263 : vector<128x1xf32>
    %slice3A_265 = vector.extract_strided_slice %get3A_254 {offsets = [0, 6], sizes = [128, 1], strides = [1, 1]} : vector<128x16xf32> to vector<128x1xf32>
    %slice3A_266 = vector.extract_strided_slice %get3A_254 {offsets = [0, 7], sizes = [128, 1], strides = [1, 1]} : vector<128x16xf32> to vector<128x1xf32>
    %add3A_267 = arith.addf %slice3A_265, %slice3A_266 : vector<128x1xf32>
    %slice3A_268 = vector.extract_strided_slice %get3A_254 {offsets = [0, 8], sizes = [128, 1], strides = [1, 1]} : vector<128x16xf32> to vector<128x1xf32>
    %add3A_269 = arith.addf %add3A_267, %slice3A_268 : vector<128x1xf32>
    %get3A_270 = arith.constant 12 : index
    %get3A_271 = arith.constant 0 : index
    %get3A_272 = arith.constant 0 : index
    %get3A_273 = vector.load %arg9[%get3A_270, %get3A_271, %get3A_272] : memref<16x128x16xf32, #tpu.memory_space<vmem>>, vector<1x128x16xf32>
    %get3A_274 = vector.shape_cast %get3A_273 : vector<1x128x16xf32> to vector<128x16xf32>
    %slice3A_275 = vector.extract_strided_slice %get3A_274 {offsets = [0, 0], sizes = [128, 1], strides = [1, 1]} : vector<128x16xf32> to vector<128x1xf32>
    %slice3A_276 = vector.extract_strided_slice %get3A_274 {offsets = [0, 1], sizes = [128, 1], strides = [1, 1]} : vector<128x16xf32> to vector<128x1xf32>
    %add3A_277 = arith.addf %slice3A_275, %slice3A_276 : vector<128x1xf32>
    %slice3A_278 = vector.extract_strided_slice %get3A_274 {offsets = [0, 2], sizes = [128, 1], strides = [1, 1]} : vector<128x16xf32> to vector<128x1xf32>
    %add3A_279 = arith.addf %add3A_277, %slice3A_278 : vector<128x1xf32>
    %slice3A_280 = vector.extract_strided_slice %get3A_274 {offsets = [0, 3], sizes = [128, 1], strides = [1, 1]} : vector<128x16xf32> to vector<128x1xf32>
    %slice3A_281 = vector.extract_strided_slice %get3A_274 {offsets = [0, 4], sizes = [128, 1], strides = [1, 1]} : vector<128x16xf32> to vector<128x1xf32>
    %add3A_282 = arith.addf %slice3A_280, %slice3A_281 : vector<128x1xf32>
    %slice3A_283 = vector.extract_strided_slice %get3A_274 {offsets = [0, 5], sizes = [128, 1], strides = [1, 1]} : vector<128x16xf32> to vector<128x1xf32>
    %add3A_284 = arith.addf %add3A_282, %slice3A_283 : vector<128x1xf32>
    %slice3A_285 = vector.extract_strided_slice %get3A_274 {offsets = [0, 6], sizes = [128, 1], strides = [1, 1]} : vector<128x16xf32> to vector<128x1xf32>
    %slice3A_286 = vector.extract_strided_slice %get3A_274 {offsets = [0, 7], sizes = [128, 1], strides = [1, 1]} : vector<128x16xf32> to vector<128x1xf32>
    %add3A_287 = arith.addf %slice3A_285, %slice3A_286 : vector<128x1xf32>
    %slice3A_288 = vector.extract_strided_slice %get3A_274 {offsets = [0, 8], sizes = [128, 1], strides = [1, 1]} : vector<128x16xf32> to vector<128x1xf32>
    %add3A_289 = arith.addf %add3A_287, %slice3A_288 : vector<128x1xf32>
    %get3A_290 = arith.constant 13 : index
    %get3A_291 = arith.constant 0 : index
    %get3A_292 = arith.constant 0 : index
    %get3A_293 = vector.load %arg9[%get3A_290, %get3A_291, %get3A_292] : memref<16x128x16xf32, #tpu.memory_space<vmem>>, vector<1x128x16xf32>
    %get3A_294 = vector.shape_cast %get3A_293 : vector<1x128x16xf32> to vector<128x16xf32>
    %slice3A_295 = vector.extract_strided_slice %get3A_294 {offsets = [0, 0], sizes = [128, 1], strides = [1, 1]} : vector<128x16xf32> to vector<128x1xf32>
    %slice3A_296 = vector.extract_strided_slice %get3A_294 {offsets = [0, 1], sizes = [128, 1], strides = [1, 1]} : vector<128x16xf32> to vector<128x1xf32>
    %add3A_297 = arith.addf %slice3A_295, %slice3A_296 : vector<128x1xf32>
    %slice3A_298 = vector.extract_strided_slice %get3A_294 {offsets = [0, 2], sizes = [128, 1], strides = [1, 1]} : vector<128x16xf32> to vector<128x1xf32>
    %add3A_299 = arith.addf %add3A_297, %slice3A_298 : vector<128x1xf32>
    %slice3A_300 = vector.extract_strided_slice %get3A_294 {offsets = [0, 3], sizes = [128, 1], strides = [1, 1]} : vector<128x16xf32> to vector<128x1xf32>
    %slice3A_301 = vector.extract_strided_slice %get3A_294 {offsets = [0, 4], sizes = [128, 1], strides = [1, 1]} : vector<128x16xf32> to vector<128x1xf32>
    %add3A_302 = arith.addf %slice3A_300, %slice3A_301 : vector<128x1xf32>
    %slice3A_303 = vector.extract_strided_slice %get3A_294 {offsets = [0, 5], sizes = [128, 1], strides = [1, 1]} : vector<128x16xf32> to vector<128x1xf32>
    %add3A_304 = arith.addf %add3A_302, %slice3A_303 : vector<128x1xf32>
    %slice3A_305 = vector.extract_strided_slice %get3A_294 {offsets = [0, 6], sizes = [128, 1], strides = [1, 1]} : vector<128x16xf32> to vector<128x1xf32>
    %slice3A_306 = vector.extract_strided_slice %get3A_294 {offsets = [0, 7], sizes = [128, 1], strides = [1, 1]} : vector<128x16xf32> to vector<128x1xf32>
    %add3A_307 = arith.addf %slice3A_305, %slice3A_306 : vector<128x1xf32>
    %slice3A_308 = vector.extract_strided_slice %get3A_294 {offsets = [0, 8], sizes = [128, 1], strides = [1, 1]} : vector<128x16xf32> to vector<128x1xf32>
    %add3A_309 = arith.addf %add3A_307, %slice3A_308 : vector<128x1xf32>
    %get3A_310 = arith.constant 14 : index
    %get3A_311 = arith.constant 0 : index
    %get3A_312 = arith.constant 0 : index
    %get3A_313 = vector.load %arg9[%get3A_310, %get3A_311, %get3A_312] : memref<16x128x16xf32, #tpu.memory_space<vmem>>, vector<1x128x16xf32>
    %get3A_314 = vector.shape_cast %get3A_313 : vector<1x128x16xf32> to vector<128x16xf32>
    %slice3A_315 = vector.extract_strided_slice %get3A_314 {offsets = [0, 0], sizes = [128, 1], strides = [1, 1]} : vector<128x16xf32> to vector<128x1xf32>
    %slice3A_316 = vector.extract_strided_slice %get3A_314 {offsets = [0, 1], sizes = [128, 1], strides = [1, 1]} : vector<128x16xf32> to vector<128x1xf32>
    %add3A_317 = arith.addf %slice3A_315, %slice3A_316 : vector<128x1xf32>
    %slice3A_318 = vector.extract_strided_slice %get3A_314 {offsets = [0, 2], sizes = [128, 1], strides = [1, 1]} : vector<128x16xf32> to vector<128x1xf32>
    %add3A_319 = arith.addf %add3A_317, %slice3A_318 : vector<128x1xf32>
    %slice3A_320 = vector.extract_strided_slice %get3A_314 {offsets = [0, 3], sizes = [128, 1], strides = [1, 1]} : vector<128x16xf32> to vector<128x1xf32>
    %slice3A_321 = vector.extract_strided_slice %get3A_314 {offsets = [0, 4], sizes = [128, 1], strides = [1, 1]} : vector<128x16xf32> to vector<128x1xf32>
    %add3A_322 = arith.addf %slice3A_320, %slice3A_321 : vector<128x1xf32>
    %slice3A_323 = vector.extract_strided_slice %get3A_314 {offsets = [0, 5], sizes = [128, 1], strides = [1, 1]} : vector<128x16xf32> to vector<128x1xf32>
    %add3A_324 = arith.addf %add3A_322, %slice3A_323 : vector<128x1xf32>
    %slice3A_325 = vector.extract_strided_slice %get3A_314 {offsets = [0, 6], sizes = [128, 1], strides = [1, 1]} : vector<128x16xf32> to vector<128x1xf32>
    %slice3A_326 = vector.extract_strided_slice %get3A_314 {offsets = [0, 7], sizes = [128, 1], strides = [1, 1]} : vector<128x16xf32> to vector<128x1xf32>
    %add3A_327 = arith.addf %slice3A_325, %slice3A_326 : vector<128x1xf32>
    %slice3A_328 = vector.extract_strided_slice %get3A_314 {offsets = [0, 8], sizes = [128, 1], strides = [1, 1]} : vector<128x16xf32> to vector<128x1xf32>
    %add3A_329 = arith.addf %add3A_327, %slice3A_328 : vector<128x1xf32>
    %get3A_330 = arith.constant 15 : index
    %get3A_331 = arith.constant 0 : index
    %get3A_332 = arith.constant 0 : index
    %get3A_333 = vector.load %arg9[%get3A_330, %get3A_331, %get3A_332] : memref<16x128x16xf32, #tpu.memory_space<vmem>>, vector<1x128x16xf32>
    %get3A_334 = vector.shape_cast %get3A_333 : vector<1x128x16xf32> to vector<128x16xf32>
    %slice3A_335 = vector.extract_strided_slice %get3A_334 {offsets = [0, 0], sizes = [128, 1], strides = [1, 1]} : vector<128x16xf32> to vector<128x1xf32>
    %slice3A_336 = vector.extract_strided_slice %get3A_334 {offsets = [0, 1], sizes = [128, 1], strides = [1, 1]} : vector<128x16xf32> to vector<128x1xf32>
    %add3A_337 = arith.addf %slice3A_335, %slice3A_336 : vector<128x1xf32>
    %slice3A_338 = vector.extract_strided_slice %get3A_334 {offsets = [0, 2], sizes = [128, 1], strides = [1, 1]} : vector<128x16xf32> to vector<128x1xf32>
    %add3A_339 = arith.addf %add3A_337, %slice3A_338 : vector<128x1xf32>
    %slice3A_340 = vector.extract_strided_slice %get3A_334 {offsets = [0, 3], sizes = [128, 1], strides = [1, 1]} : vector<128x16xf32> to vector<128x1xf32>
    %slice3A_341 = vector.extract_strided_slice %get3A_334 {offsets = [0, 4], sizes = [128, 1], strides = [1, 1]} : vector<128x16xf32> to vector<128x1xf32>
    %add3A_342 = arith.addf %slice3A_340, %slice3A_341 : vector<128x1xf32>
    %slice3A_343 = vector.extract_strided_slice %get3A_334 {offsets = [0, 5], sizes = [128, 1], strides = [1, 1]} : vector<128x16xf32> to vector<128x1xf32>
    %add3A_344 = arith.addf %add3A_342, %slice3A_343 : vector<128x1xf32>
    %slice3A_345 = vector.extract_strided_slice %get3A_334 {offsets = [0, 6], sizes = [128, 1], strides = [1, 1]} : vector<128x16xf32> to vector<128x1xf32>
    %slice3A_346 = vector.extract_strided_slice %get3A_334 {offsets = [0, 7], sizes = [128, 1], strides = [1, 1]} : vector<128x16xf32> to vector<128x1xf32>
    %add3A_347 = arith.addf %slice3A_345, %slice3A_346 : vector<128x1xf32>
    %slice3A_348 = vector.extract_strided_slice %get3A_334 {offsets = [0, 8], sizes = [128, 1], strides = [1, 1]} : vector<128x16xf32> to vector<128x1xf32>
    %add3A_349 = arith.addf %add3A_347, %slice3A_348 : vector<128x1xf32>
    %concatenate3A = tpu.concatenate %add3A_39, %add3A_59, %add3A_79, %add3A_99, %add3A_119, %add3A_139, %add3A_159, %add3A_179, %add3A_199, %add3A_219, %add3A_239, %add3A_259, %add3A_279, %add3A_299, %add3A_319, %add3A_339 in 1 : vector<128x1xf32>, vector<128x1xf32>, vector<128x1xf32>, vector<128x1xf32>, vector<128x1xf32>, vector<128x1xf32>, vector<128x1xf32>, vector<128x1xf32>, vector<128x1xf32>, vector<128x1xf32>, vector<128x1xf32>, vector<128x1xf32>, vector<128x1xf32>, vector<128x1xf32>, vector<128x1xf32>, vector<128x1xf32> -> vector<128x16xf32>
    %concatenate3A_350 = tpu.concatenate %add3A_44, %add3A_64, %add3A_84, %add3A_104, %add3A_124, %add3A_144, %add3A_164, %add3A_184, %add3A_204, %add3A_224, %add3A_244, %add3A_264, %add3A_284, %add3A_304, %add3A_324, %add3A_344 in 1 : vector<128x1xf32>, vector<128x1xf32>, vector<128x1xf32>, vector<128x1xf32>, vector<128x1xf32>, vector<128x1xf32>, vector<128x1xf32>, vector<128x1xf32>, vector<128x1xf32>, vector<128x1xf32>, vector<128x1xf32>, vector<128x1xf32>, vector<128x1xf32>, vector<128x1xf32>, vector<128x1xf32>, vector<128x1xf32> -> vector<128x16xf32>
    %concatenate3A_351 = tpu.concatenate %add3A_49, %add3A_69, %add3A_89, %add3A_109, %add3A_129, %add3A_149, %add3A_169, %add3A_189, %add3A_209, %add3A_229, %add3A_249, %add3A_269, %add3A_289, %add3A_309, %add3A_329, %add3A_349 in 1 : vector<128x1xf32>, vector<128x1xf32>, vector<128x1xf32>, vector<128x1xf32>, vector<128x1xf32>, vector<128x1xf32>, vector<128x1xf32>, vector<128x1xf32>, vector<128x1xf32>, vector<128x1xf32>, vector<128x1xf32>, vector<128x1xf32>, vector<128x1xf32>, vector<128x1xf32>, vector<128x1xf32>, vector<128x1xf32> -> vector<128x16xf32>
    %slice3A_352 = vector.extract_strided_slice %get3A_3 {offsets = [0, 0], sizes = [128, 1], strides = [1, 1]} : vector<128x3xf32> to vector<128x1xf32>
    %broadcast_in_dim3A_353 = vector.shape_cast %slice3A_352 : vector<128x1xf32> to vector<128x1xf32>
    %broadcast_in_dim3A_354 = vector.broadcast %broadcast_in_dim3A_353 : vector<128x1xf32> to vector<128x16xf32>
    %slice3A_355 = vector.extract_strided_slice %get3A_3 {offsets = [0, 1], sizes = [128, 1], strides = [1, 1]} : vector<128x3xf32> to vector<128x1xf32>
    %broadcast_in_dim3A_356 = vector.shape_cast %slice3A_355 : vector<128x1xf32> to vector<128x1xf32>
    %broadcast_in_dim3A_357 = vector.broadcast %broadcast_in_dim3A_356 : vector<128x1xf32> to vector<128x16xf32>
    %slice3A_358 = vector.extract_strided_slice %get3A_3 {offsets = [0, 2], sizes = [128, 1], strides = [1, 1]} : vector<128x3xf32> to vector<128x1xf32>
    %broadcast_in_dim3A_359 = vector.shape_cast %slice3A_358 : vector<128x1xf32> to vector<128x1xf32>
    %broadcast_in_dim3A_360 = vector.broadcast %broadcast_in_dim3A_359 : vector<128x1xf32> to vector<128x16xf32>
    %sub3A_361 = arith.subf %broadcast_in_dim3A_354, %concatenate3A : vector<128x16xf32>
    %sub3A_362 = arith.subf %broadcast_in_dim3A_357, %concatenate3A_350 : vector<128x16xf32>
    %sub3A_363 = arith.subf %broadcast_in_dim3A_360, %concatenate3A_351 : vector<128x16xf32>
    %mul3A_364 = arith.mulf %sub3A_361, %sub3A_361 : vector<128x16xf32>
    %mul3A_365 = arith.mulf %sub3A_362, %sub3A_362 : vector<128x16xf32>
    %add3A_366 = arith.addf %mul3A_364, %mul3A_365 : vector<128x16xf32>
    %mul3A_367 = arith.mulf %sub3A_363, %sub3A_363 : vector<128x16xf32>
    %add3A_368 = arith.addf %add3A_366, %mul3A_367 : vector<128x16xf32>
    %max3A = arith.constant 9.99999996E-13 : f32
    %max3A_369 = vector.broadcast %max3A : f32 to vector<128x16xf32>
    %max3A_370 = arith.maximumf %add3A_368, %max3A_369 : vector<128x16xf32>
    %sqrt3A = math.sqrt %max3A_370 : vector<128x16xf32>
    %stack3A = vector.shape_cast %broadcast_in_dim3A_354 : vector<128x16xf32> to vector<1x128x16xf32>
    %stack3A_371 = vector.shape_cast %broadcast_in_dim3A_357 : vector<128x16xf32> to vector<1x128x16xf32>
    %stack3A_372 = vector.shape_cast %broadcast_in_dim3A_360 : vector<128x16xf32> to vector<1x128x16xf32>
    %stack3A_373 = vector.shape_cast %concatenate3A : vector<128x16xf32> to vector<1x128x16xf32>
    %stack3A_374 = vector.shape_cast %concatenate3A_350 : vector<128x16xf32> to vector<1x128x16xf32>
    %stack3A_375 = vector.shape_cast %concatenate3A_351 : vector<128x16xf32> to vector<1x128x16xf32>
    %stack3A_376 = vector.shape_cast %sub3A_361 : vector<128x16xf32> to vector<1x128x16xf32>
    %stack3A_377 = vector.shape_cast %sub3A_362 : vector<128x16xf32> to vector<1x128x16xf32>
    %stack3A_378 = vector.shape_cast %sub3A_363 : vector<128x16xf32> to vector<1x128x16xf32>
    %stack3A_379 = vector.shape_cast %sqrt3A : vector<128x16xf32> to vector<1x128x16xf32>
    %stack3A_380 = tpu.concatenate %stack3A, %stack3A_371, %stack3A_372, %stack3A_373, %stack3A_374, %stack3A_375, %stack3A_376, %stack3A_377, %stack3A_378, %stack3A_379 in 0 : vector<1x128x16xf32>, vector<1x128x16xf32>, vector<1x128x16xf32>, vector<1x128x16xf32>, vector<1x128x16xf32>, vector<1x128x16xf32>, vector<1x128x16xf32>, vector<1x128x16xf32>, vector<1x128x16xf32>, vector<1x128x16xf32> -> vector<10x128x16xf32>
    %reshape3A = vector.shape_cast %stack3A_380 : vector<10x128x16xf32> to vector<10x2048xf32>
    %get3A_381 = arith.constant 0 : index
    %get3A_382 = arith.constant 0 : index
    %get3A_383 = vector.load %arg6[%get3A_381, %get3A_382] : memref<16x10xf32, #tpu.memory_space<vmem>>, vector<16x10xf32>
    %dot_general3A_384 = arith.constant dense<0.000000e+00> : vector<16x2048xf32>
    %dot_general3A_385 = tpu.matmul %get3A_383, %reshape3A, %dot_general3A_384 {dimension_numbers = #tpu.dot_dimension_numbers<[1], [0], [0], [1], [0, 0, 1, 1], [], []>, transpose_lhs_hint = false} : vector<16x10xf32>, vector<10x2048xf32>, vector<16x2048xf32> -> vector<16x2048xf32>
    %get3A_386 = arith.constant 0 : index
    %get3A_387 = arith.constant 0 : index
    %get3A_388 = vector.load %arg7[%get3A_386, %get3A_387] : memref<16x1xf32, #tpu.memory_space<vmem>>, vector<16x1xf32>
    %add3A_389 = vector.broadcast %get3A_388 : vector<16x1xf32> to vector<16x2048xf32>
    %add3A_390 = arith.addf %dot_general3A_385, %add3A_389 : vector<16x2048xf32>
    %get3A_391 = arith.constant 0 : index
    %get3A_392 = arith.constant 0 : index
    %get3A_393 = arith.constant 0 : index
    %get3A_394 = vector.load %arg5[%get3A_391, %get3A_392, %get3A_393] : memref<1x16x128xf32, #tpu.memory_space<vmem>>, vector<1x16x128xf32>
    %get3A_395 = vector.shape_cast %get3A_394 : vector<1x16x128xf32> to vector<16x128xf32>
    %broadcast_in_dim3A_396 = vector.shape_cast %get3A_395 : vector<16x128xf32> to vector<16x128x1xf32>
    %broadcast_in_dim3A_397 = vector.shape_cast %broadcast_in_dim3A_396 : vector<16x128x1xf32> to vector<16x128x1xf32>
    %broadcast_in_dim3A_398 = vector.broadcast %broadcast_in_dim3A_397 : vector<16x128x1xf32> to vector<16x128x16xf32>
    %reshape3A_399 = vector.shape_cast %broadcast_in_dim3A_398 : vector<16x128x16xf32> to vector<16x2048xf32>
    %concatenate3A_400 = tpu.concatenate %add3A_390, %reshape3A_399 in 0 : vector<16x2048xf32>, vector<16x2048xf32> -> vector<32x2048xf32>
    %swap3A = arith.constant 0 : index
    %swap3A_401 = arith.constant 0 : index
    %swap3A_402 = arith.constant 0 : index
    %swap3A_403 = vector.load %arg8[%swap3A, %swap3A_401, %swap3A_402] : memref<1x32x2048xf32, #tpu.memory_space<vmem>>, vector<1x32x2048xf32>
    %swap3A_404 = vector.shape_cast %swap3A_403 : vector<1x32x2048xf32> to vector<32x2048xf32>
    %swap3A_405 = vector.shape_cast %concatenate3A_400 : vector<32x2048xf32> to vector<1x32x2048xf32>
    tpu.vector_store %arg8[%swap3A, %swap3A_401, %swap3A_402], %swap3A_405 {strides = array<i32>} : memref<1x32x2048xf32, #tpu.memory_space<vmem>>, vector<1x32x2048xf32>,
    return
  }
  func.func @transform_0(%arg0: i32, %arg1: i32) -> (i32, i32, i32) {
    %c0_i32 = arith.constant 0 : i32
    %c0_i32_0 = arith.constant 0 : i32
    return %arg0, %arg1, %c0_i32 : i32, i32, i32
  }
  func.func @transform_1(%arg0: i32, %arg1: i32) -> (i32, i32, i32) {
    %c0_i32 = arith.constant 0 : i32
    %c0_i32_0 = arith.constant 0 : i32
    %c0_i32_1 = arith.constant 0 : i32
    return %arg0, %c0_i32, %c0_i32_0 : i32, i32, i32
  }
  func.func @transform_2(%arg0: i32, %arg1: i32) -> (i32, i32, i32) {
    %c0_i32 = arith.constant 0 : i32
    %c0_i32_0 = arith.constant 0 : i32
    %c0_i32_1 = arith.constant 0 : i32
    return %arg0, %c0_i32, %c0_i32_0 : i32, i32, i32
  }
  func.func @transform_3(%arg0: i32, %arg1: i32) -> (i32, i32, i32) {
    %c0_i32 = arith.constant 0 : i32
    %c0_i32_0 = arith.constant 0 : i32
    return %arg0, %c0_i32, %arg1 : i32, i32, i32
  }
  func.func @transform_4(%arg0: i32, %arg1: i32) -> (i32, i32) {
    %c0_i32 = arith.constant 0 : i32
    %c0_i32_0 = arith.constant 0 : i32
    %c0_i32_1 = arith.constant 0 : i32
    return %c0_i32, %c0_i32_0 : i32, i32
  }
  func.func @transform_5(%arg0: i32, %arg1: i32) -> (i32, i32) {
    %c0_i32 = arith.constant 0 : i32
    %c0_i32_0 = arith.constant 0 : i32
    %c0_i32_1 = arith.constant 0 : i32
    return %c0_i32, %c0_i32_0 : i32, i32
  }
  func.func @transform_6(%arg0: i32, %arg1: i32) -> (i32, i32, i32) {
    %c0_i32 = arith.constant 0 : i32
    %c0_i32_0 = arith.constant 0 : i32
    return %arg0, %c0_i32, %arg1 : i32, i32, i32
  }
}

</mosaic_0001>

<sc_bundles>
// kernel: sparse-core-data-format-call.cloned.1.call-start
scs
called_computation_lowered:
.L_overlay_start_0:
0x0: {  	s2 =	sld [smem:$0x3FD9]  }
0x1: {  	s3 =	sld [smem:$0x3FFE];
	_ =	sdelay $0x1  }
0x2: {  	s1 =	srdreg.scid  }
0x3: {  	s0 =	sand.u32 $0x1, s1  }
0x4: {  	s18 =	sshll.u32 s0, $0xA;
	s2 =	sadd.s32 s3, s2  }
0x5: {  	s2 =	sadd.s32 s2, s18  }
0x6: {  	[smem:$0x3FC4] =	sst s2  }
0x7: {  	_ = 	snop  }
0x8: {  	s2 =	sld [smem:$0x3FD0];
	(tm) =	ssettm $0x1  }
0x9: {  	s19 =	sld [smem:$0x3FFB];
	_ =	sdelay $0x3  }
0xa: {  	_ =	strace s19  }
0xb: {  	s3 =	sld [smem:$0x3FFC];
	_ =	sdelay $0x3  }
0xc: {  	_ =	strace s3  }
0xd: {  	s3 =	sld [smem:$0x3FFD];
	_ =	sdelay $0x3  }
0xe: {  	_ =	strace s3  }
0xf: {  	_ =	strace $0x8FFFFFFF  }
0x10: {  	s20 =	sld [smem:$0x3FDB];
	_ =	sdelay $0x1  }
0x11: {  	s4 =	simm.s32 $_scs_section_size  }
0x12: {  	s5 =	simm.s32 $_size__tile_overlayer_lowered;
	s6 =	simm.s32 $_tile_overlayer_lowered  }
0x13: {  	s23 =	simm.s32 $0x1BFF;
	s22 =	sshll.u32 s6, $0x1;
	s3 =	sadd.s32 s4, s20  }
0x14: {  	s7 =	simm.s32 $0x0;
	s21 =	sshll.u32 s5, $0x1;
	s5 =	sadd.s32 s22, s3  }
0x15: {  	[timem:s7], [sflag:s23] =	dma.local [hbm:s5], s21  }
0x16: {  	_ =	swait.ge [sflag:s23], s21  }
0x17: {  	s4 =	ssub.s32 $0x0, s21;
	[sflag:s23] =	ssyncset.done $0x0  }
0x18: {  	[sflag:s23] =	ssyncadd.s32 s4;
	_ =	sdelay $0x1  }
0x19: {  	s24 =	simm.s32 $0x1B8B  }
0x1a: {  	_ =	swait.ge [sflag:s24], $0x1  }
0x1b: {  	[sflag:s24] =	ssyncset.done $0x0  }
0x1c: {  	s26 =	simm.s32 $0x1B8E;
	s25 =	sld [smem:$0x3FFE];
	[sflag:s24] =	ssyncadd.s32 $0xFFFFFFFF  }
0x1d: {  	s27 =	simm.s32 $execute0_lowered;
	[smem:$0x3FD2] =	sst s26  }
0x1e: {  	s5 =	sshll.u32 s27, $0x1;
	_ =	strace $0x80000046;
	[dreg:$0x1] =	wrdreg $0xFFFFFFFF  }
0x1f: {  	s28 =	simm.s32 $_size_execute0_lowered;
	s3 =	sadd.s32 s3, s5;
	[dreg:$0x0] =	wrdreg $0x0  }
0x20: {  	s5 =	sshll.u32 s28, $0x1;
	[dreg:$0x2] =	wrdreg s3  }
0x21: {  	[dreg:$0x3] =	wrdreg s5  }
0x22: {  	[dreg:$0x4] =	wrdreg $0xC0  }
0x23: {  	_ =	task [dreg:s7], $0x5FFFF  }
0x24: {  	[dreg:$0x1] =	wrdreg $0xFFFFFFFF  }
0x25: {  	[dreg:$0x0] =	wrdreg $0x60  }
0x26: {  	[dreg:$0x2] =	wrdreg s25  }
0x27: {  	[dreg:$0x3] =	wrdreg s2  }
0x28: {  	[dreg:$0x4] =	wrdreg $0x9  }
0x29: {  	_ =	task.clear_ibuf [dreg:s7], $0x5FFFF;
	_ =	strace $0x90000046  }
0x2a: {  	s29 =	simm.s32 $0x9;
	_ =	strace $0x80000048  }
0x2b: {  	_ =	swait.ge [sflag:s29], $0x1  }
0x2c: {  	[sflag:s29] =	ssyncadd.s32 $0xFFFFFFFF  }
0x2d: {  	_ =	strace $0x90000048  }
0x2e: {  	_ =	sfence  }
0x2f: {  	s30 =	sld [smem:$0x0];
	_ =	sdelay $0x2  }
0x30: {  	s31 =	sshll.u32 s1, $0xD;
	s1 =	sshrl.u32 s1, $0x2  }
0x31: {  	s3 =	sand.u32 $0x4000, s31;
	s1 =	sadd.s32 s1, s30  }
0x32: {  	s0 =	sor.u32 s3, s0;
	s1 =	sshll.u32 s1, $0x11  }
0x33: {  	s0 =	sor.u32 s1, s0  }
0x34: {  	s0 =	sadd.s32 $0x8F2B, s0  }
0x35: {  	[sflag:s0] =	ssyncadd.remote.s32 $0x1  }
0x36: {  	_ =	sfence.sel $0xFFFF  }
0x37: {  	[dreg:$0x0] =	wrdreg $0xFFFFFFFF;
	(pc) =	sbr.abs _section_cstart, $3  }
0x38: {  	[dreg:$0x1] =	wrdreg $0xFFFFFFFF  }
0x39: {  	_ =	task.clear_ibuf [dreg:s7], $0x2FFFF;
	_ =	strace $0x9FFFFFFF  }
0x3a: {  	(tm) =	ssettm $0x7FFFFFFF  }
0x3b: {  	_ =	shalt  }
tec
execute0_lowered:
.L_overlay_start_1:
0x0: {  	(tag) =	ssettag $0x1  }
0x1: {  	s0 =	stileid.u32;
	s6 =	rddreg [dreg:$0x0]  }
0x2: {  	s1 =	srdreg.scid;
	s4 =	rddreg [dreg:$0x1];
	s31 =	simm.s32 $0x2  }
0x3: {  	s15 =	simm.s32 $0x0;
	s2 =	sshll.u32 s0, $0x6;
	s1 =	sshll.u32 s1, $0xA  }
0x4: {  	s18 =	simm.s32 $0x0;
	s16 =	simm.s32 $0x0;
	s1 =	sor.u32 s2, s1  }
0x5: {  	s17 =	simm.s32 $0x0;
	s10 =	simm.s32 $0x0;
	s1 =	sand.u32 $0x780, s1  }
0x6: {  	s11 =	simm.s32 $0x0;
	s2 =	sand.u32 $0x1, s0;
	s3 =	ssub.s32 $0x4000, s1  }
0x7: {  	s14 =	simm.s32 $0x0;
	s5 =	ssub.s32 $0x2, s2;
	s7 =	sand.u32 $0x780, s3  }
0x8: {  	s8 =	sshrl.u32 s5, $0x1;
	p0 =	sne.s32 s7, $0x0;
	s7 =	simm.s32 $0x1  }
0x9: {  	s5 =	sand.u32 $0x1, s5;
	s9 =	sshrl.u32 s3, $0xB;
	s7 =	simm.s32 @!p0 $0x0  }
.Ltmp0:
0xa: {  	s8 =	sadd.s32 s5, s8;
	s7 =	sadd.s32 s7, s9;
	(pc) =	sbr.rel .LBB1_1-.Ltmp0, $4  }
0xb: {  	s6 =	sadd.s32 $0xE00, s6;
	s13 =	smov.u32 s2;
	s7 =	smul.u32 s7, s8  }
0xc: {  	s3 =	rddreg [dreg:$0x2];
	_ =	strace $0x80000047;
	s5 =	simm.s32 $0x1  }
0xd: {  	s12 =	smov.u32 s1;
	[sflag:s5] =	ssyncpa.u1 $0x0;
	s7 =	sshll.u32 s7, $0x2  }
0xe: {  	[sflag:s31] =	ssyncpa.u1 $0x0;
	s9 =	simm.s32 $0x20000;
	s8 =	sor.u32 $0x1, s7  }
.LBB1_7:
0xf: {  	s19 =	sadd.s32 $0x8, s10  }
0x10: {  	s15 =	sadd.s32 $0x10, s11;
	s20 =	smov.u32 s11;
	p1 =	sgt.s32 s19, $0x1F  }
0x11: {  	s20 =	smov.u32 @p1 s15  }
0x12: {  	s21 =	smov.u32 s12;
	s15 =	sadd.s32 $0x800, s12;
	p2 =	sgt.s32 s20, $0xF  }
0x13: {  	s21 =	smov.u32 @p2 s15  }
0x14: {  	s22 =	smov.u32 s13;
	s15 =	sadd.s32 $0x2, s13;
	p3 =	sgt.s32 s21, $0x3FFF  }
0x15: {  	s22 =	smov.u32 @p3 s15  }
0x16: {  	p0 =	slt.u32 s14, $0x2;
	s19 =	simm.s32 @p1 $0x0;
	p1 =	sgt.s32 s22, $0x1  }
0x17: {  	s23 =	simm.s32 @!p0 $0x2;
	s22 =	smov.u32 @p1 s2;
	p1 =	sne.s32 s14, s8  }
.Ltmp1:
0x18: {  	s18 =	smov.u32 s11;
	_ =	swait.ge @!p0 [sflag:s23], $0x4000;
	(pc) =	sbr.rel @!p1 .LBB1_8-.Ltmp1, $4  }
0x19: {  	s16 =	smov.u32 s12;
	[sflag:s23] =	ssyncset.done @!p0 $0x0;
	s20 =	simm.s32 @p2 $0x0  }
0x1a: {  	s17 =	smov.u32 s13;
	[sflag:s23] =	ssyncadd.s32 @!p0 $0xFFFFC000;
	s11 =	smov.u32 s20  }
0x1b: {  	s21 =	smov.u32 @p3 s1;
	s15 =	smov.u32 s10;
	s10 =	smov.u32 s19  }
0x1c: {  	s12 =	smov.u32 s21;
	s14 =	sadd.s32 $0x1, s14;
	s13 =	smov.u32 s22  }
.LBB1_1:
0x1d: {  	p0 =	sge.u32 s14, s7;
	s31 =	sadd.s32 $0xFFFFFFFF, s14  }
0x1e: {  	s19 =	sshll.u32 @!p0 s11, $0x7;
	s20 =	sshll.u32 @!p0 s10, $0x3;
	s22 =	sxor.u32 @!p0 $0xFFFFFFFF, s14  }
0x1f: {  	s23 =	sshrl.u32 @!p0 s10, $0x3;
	s21 =	sand.u32 @!p0 $0x400, s19;
	s20 =	sand.u32 @!p0 $0x400, s20  }
0x20: {  	s19 =	sand.u32 @!p0 $0x380, s19;
	s20 =	sadd.s32 @!p0 s21, s20;
	s21 =	sshll.u32 @!p0 s22, $0xE  }
0x21: {  	s19 =	sor.u32 @!p0 s19, s20;
	s20 =	sand.u32 @!p0 $0x4000, s21;
	s21 =	sshll.u32 @!p0 s13, $0x16  }
0x22: {  	s23 =	sand.u32 @!p0 $0xF, s23;
	s22 =	sshll.u32 @!p0 s12, $0x8;
	s21 =	sadd.s32 @!p0 s6, s21  }
0x23: {  	s19 =	sshrl.u32 @!p0 s19, $0x3;
	s21 =	sadd.s32 @!p0 s22, s21;
	s22 =	sand.u32 @!p0 $0x7, s10  }
0x24: {  	s19 =	sand.u32 @!p0 $0xF0, s19;
	s21 =	sadd.s32 @!p0 s23, s21;
	s22 =	sshll.u32 @!p0 s22, $0x12  }
0x25: {  	s19 =	sadd.s32 @!p0 s19, s21;
	s21 =	sor.u32 @!p0 $0x8, s22;
	s22 =	simm.s32 @!p0 $0x80  }
0x26: {  	[tilespmem:s20], [sflag:$0x1] =	stream.strided.gather @!p0 [hbm4b:s19+s21], $0x4000, s22, s21, $0x38;
	[tilespmem:$0x10100] =	vst v63  }
0x27: {  	p0 =	sge.u32 s31, s7  }
.Ltmp2:
0x28: {  	_ = 	snop;
	(pc) =	sbr.rel @p0 .LBB1_7-.Ltmp2, $1  }
0x29: {  	_ =	sdelay $0x3  }
0x2a: {  	s19 =	sand.u32 $0x1, s14  }
0x2b: {  	_ =	swait.ge [sflag:s5], $0x4000;
	s20 =	smul.u32 $0x10200, s19  }
0x2c: {  	[sflag:s5] =	ssyncset.done $0x0  }
0x2d: {  	[sflag:s5] =	ssyncadd.s32 $0xFFFFC000;
	s21 =	sshrl.u32 s20, $0x2  }
0x2e: {  	s20 =	sshll.u32 s19, $0xE;
	s19 =	sor.u32 $0x8000, s21;
	s21 =	simm.s32 $0x0  }
.LBB1_3:
0x2f: {  	s22 =	sshll.u32 s21, $0x7  }
0x30: {  	s22 =	sand.u32 $0x3FFFFF80, s22  }
0x31: {  	s22 =	sadd.s32 s22, s20  }
0x32: {  	v0 =	vmov s22;
	_ =	sdelay $0x1  }
0x33: {  	p0 =	por $0x1, $0x1;
	s22 =	simm.s32 $0x0  }
.LBB1_4:
0x34: {  	s23 =	sshll.u32 s22, $0x3  }
0x35: {  	s23 =	sand.u32 $0x3FFFFFF8, s23  }
0x36: {  	s31 =	smul.u32 $0x204, s22;
	v1 =	vld.idx.msk [tilespmem:v0+s23+$0x0 ss:$0x1], $0xff;
	_ =	sdelay $0x1  }
0x37: {  	s22 =	sshra.s32 s31, $0x2  }
0x38: {  	s22 =	sadd.s32 s22, s19  }
0x39: {  	s22 =	sadd.s32 s21, s22  }
0x3a: {  	[tilespmem:s22+$0x0 ss:$0x810] =	vst.msk $0xff, v1  }
0x3b: {  	v1 =	vld.idx.msk [tilespmem:v0+s23+$0x8 ss:$0x1], $0xff;
	_ =	sdelay $0x4  }
0x3c: {  	[tilespmem:s22+$0x81 ss:$0x810] =	vst.msk $0xff, v1  }
0x3d: {  	v1 =	vld.idx.msk [tilespmem:v0+s23+$0x10 ss:$0x1], $0xff;
	_ =	sdelay $0x4  }
0x3e: {  	[tilespmem:s22+$0x102 ss:$0x810] =	vst.msk $0xff, v1  }
0x3f: {  	v1 =	vld.idx.msk [tilespmem:v0+s23+$0x18 ss:$0x1], $0xff;
	_ =	sdelay $0x4  }
0x40: {  	[tilespmem:s22+$0x183 ss:$0x810] =	vst.msk $0xff, v1  }
0x41: {  	v1 =	vld.idx.msk [tilespmem:v0+s23+$0x20 ss:$0x1], $0xff;
	_ =	sdelay $0x4  }
0x42: {  	[tilespmem:s22+$0x204 ss:$0x810] =	vst.msk $0xff, v1  }
0x43: {  	v1 =	vld.idx.msk [tilespmem:v0+s23+$0x28 ss:$0x1], $0xff;
	_ =	sdelay $0x4  }
0x44: {  	[tilespmem:s22+$0x285 ss:$0x810] =	vst.msk $0xff, v1  }
0x45: {  	v1 =	vld.idx.msk [tilespmem:v0+s23+$0x30 ss:$0x1], $0xff;
	_ =	sdelay $0x4  }
0x46: {  	[tilespmem:s22+$0x306 ss:$0x810] =	vst.msk $0xff, v1  }
0x47: {  	p1 =	por p0, p0;
	v1 =	vld.idx.msk [tilespmem:v0+s23+$0x38 ss:$0x1], $0xff  }
.Ltmp3:
0x48: {  	_ = 	snop;
	(pc) =	sbr.rel @p1 .LBB1_4-.Ltmp3, $2  }
0x49: {  	_ =	sdelay $0x2  }
0x4a: {  	p0 =	por $0x0, $0x0;
	[tilespmem:s22+$0x387 ss:$0x810] =	vst.msk $0xff, v1;
	s22 =	simm.s32 $0x8  }
0x4b: {  	s21 =	sadd.s32 $0x1, s21  }
0x4c: {  	p0 =	sne.s32 s21, $0x80  }
.Ltmp4:
0x4d: {  	_ = 	snop;
	(pc) =	sbr.rel @p0 .LBB1_3-.Ltmp4, $1  }
0x4e: {  	_ =	sdelay $0x3  }
0x4f: {  	s20 =	sand.u32 $0x78, s16  }
0x50: {  	s21 =	sshll.u32 s18, $0xE;
	s22 =	sshll.u32 s16, $0x3;
	s28 =	sshll.u32 s18, $0x7  }
0x51: {  	s17 =	sshll.u32 s17, $0x14;
	s15 =	sshll.u32 s15, $0xF;
	s30 =	sand.u32 $0x7, s16  }
0x52: {  	s21 =	sand.u32 $0x20000, s21;
	s23 =	sand.u32 $0x3C00, s22;
	s22 =	sand.u32 $0x3FC00, s22  }
0x53: {  	s18 =	sand.u32 $0x380, s28;
	s17 =	sadd.s32 s4, s17;
	s21 =	sadd.s32 s22, s21  }
.Ltmp5:
0x54: {  	s20 =	sor.u32 s20, s23;
	s29 =	sshrl.u32 s21, $0x3;
	(pc) =	sbr.rel .LBB1_7-.Ltmp5, $4  }
0x55: {  	s15 =	sadd.s32 s15, s17;
	s18 =	sor.u32 s18, s20;
	s20 =	sand.u32 $0x7800, s29  }
0x56: {  	s16 =	sshll.u32 s30, $0x12;
	s31 =	sshrl.u32 s18, $0x3;
	s15 =	sadd.s32 s20, s15  }
0x57: {  	s16 =	sor.u32 $0x400, s16;
	s15 =	sadd.s32 s31, s15  }
0x58: {  	[hbm4b:s15+s16] =	stream.strided.scatter [tilespmem:s19], [sflag:$0x2], $0x4000, s9, s16, $0x20;
	[tilespmem:$0x10100] =	vst v63  }
.LBB1_8:
0x59: {  	_ =	sfence.sel $0x180000  }
0x5a: {  	s1 =	simm.s32 $0x1;
	[bflag:$0x0] =	sbarrier.arrive $0xFFFF  }
0x5b: {  	s31 =	simm.s32 $0x2;
	[sflag:s1] =	ssyncpa.u1 $0x1  }
0x5c: {  	[sflag:s31] =	ssyncpa.u1 $0x1  }
0x5d: {  	p0 =	sne.s32 s0, $0x0;
	_ =	strace $0x90000047  }
0x5e: {  	s0 =	sadd.s32 @!p0 $0x100000, s3;
	[bflag:$0x2] =	sbarrier.arrive $0xFFFF  }
0x5f: {  	[sflag:s0] =	ssyncadd.tile.s32 @!p0 $0x1;
	_ =	shalt  }
.Lfunc_end1:
_tile_overlayer_lowered:
.L_overlay_start_2:
0x60: {  	(tag) =	ssettag $0x2  }
0x61: {  	s0 =	rddreg [dreg:$0x0];
	s2 =	stileid.u32  }
0x62: {  	s1 =	rddreg [dreg:$0x1];
	p0 =	sne.s32 s2, $0x0  }
0x63: {  	s3 =	rddreg [dreg:$0x2];
	[bflag:$0x3] =	sbarrier.arrive $0xFFFF;
	s2 =	simm.s32 @!p0 $0x1C01  }
0x64: {  	[timem:s3], [sflag:s2] =	dma.local @!p0 [hbm:s0], s1  }
0x65: {  	s0 =	simm.s32 @!p0 $0x1  }
0x66: {  	_ =	swait.ge @!p0 [sflag:s0], s1  }
0x67: {  	s1 =	ssub.s32 @!p0 $0x0, s1;
	[sflag:s0] =	ssyncset.done @!p0 $0x0  }
0x68: {  	[sflag:s0] =	ssyncadd.s32 @!p0 s1  }
0x69: {  	[bflag:$0x3] =	sbarrier.arrive $0xFFFF  }
0x6a: {  	_ =	shalt  }

</sc_bundles>
